<compile_context>
chip_gen: v7x
topology: tpu7x:2x2x1
jax: 0.10.2.dev20260603
libtpu: 0.0.44.dev20260713+nightly
codegen_flags: <defaults>
</compile_context>

<pallas_src>
import jax
import jax.numpy as jnp
from jax import lax
from jax.experimental import pallas as pl
from jax.experimental.pallas import tpu as pltpu
from jax.experimental.pallas import tpu_sc as plsc
import functools

_B = 128
_NP = 100
_N = _B * _NP
_D = 128
_T = 1000
_NA = 100

_G = 128
_NB = _B // _G
_GN = _G * _NP


def _sc_gather_rows(table, idx):
    info = plsc.get_sparse_core_info()
    nc, ns = info.num_cores, info.num_subcores
    nw = nc * ns
    bpw = _N // nw

    @functools.partial(
        pl.kernel,
        mesh=plsc.VectorSubcoreMesh(core_axis_name="c", subcore_axis_name="s"),
        out_type=jax.ShapeDtypeStruct((_N, _D), jnp.float32),
        scratch_types=[
            pltpu.VMEM((bpw,), jnp.int32),
            pltpu.VMEM((bpw, _D), jnp.float32),
            pltpu.SemaphoreType.DMA,
        ],
    )
    def k(table_hbm, idx_hbm, out_hbm, idx_v, rows_v, sem):
        wid = lax.axis_index("s") * nc + lax.axis_index("c")
        base = wid * bpw
        pltpu.sync_copy(idx_hbm.at[pl.ds(base, bpw)], idx_v)
        pltpu.async_copy(table_hbm.at[idx_v], rows_v, sem).wait()
        pltpu.sync_copy(rows_v, out_hbm.at[pl.ds(base, bpw)])

    return k(table, idx)


def _frac(xT, efT):
    rows = [xT[0:1, :] * efT[0 + j:1 + j, :]
            + xT[1:2, :] * efT[3 + j:4 + j, :]
            + xT[2:3, :] * efT[6 + j:7 + j, :]
            for j in range(3)]
    return jnp.concatenate(rows, axis=0)


def _graph_kernel(pos_ref, posr_ref, noise_ref, emb_ref, t_ref, tg_ref,
                  mask_ref, cell_ref, tt_ref, wp_ref, wm_ref, wo_ref,
                  rec_ref, loss_ref):
    gidx = pl.program_id(0)
    f32 = jnp.float32

    cf = cell_ref[0]
    m00 = cf[0:1]; m01 = cf[1:2]; m02 = cf[2:3]
    m10 = cf[3:4]; m11 = cf[4:5]; m12 = cf[5:6]
    m20 = cf[6:7]; m21 = cf[7:8]; m22 = cf[8:9]
    c00 = m11 * m22 - m12 * m21
    c10 = m12 * m20 - m10 * m22
    c20 = m10 * m21 - m11 * m20
    det = m00 * c00 + m01 * c10 + m02 * c20
    r = 1.0 / det
    einv = jnp.concatenate([
        c00 * r,
        (m02 * m21 - m01 * m22) * r,
        (m01 * m12 - m02 * m11) * r,
        c10 * r,
        (m00 * m22 - m02 * m20) * r,
        (m02 * m10 - m00 * m12) * r,
        c20 * r,
        (m01 * m20 - m00 * m21) * r,
        (m00 * m11 - m01 * m10) * r,
    ], axis=0)

    seg = (lax.broadcasted_iota(jnp.int32, (_G, _GN), 0)
           == lax.broadcasted_iota(jnp.int32, (_G, _GN), 1) // _NP
           ).astype(f32)

    efT = jnp.dot(einv, seg, preferred_element_type=f32)

    pfT = _frac(pos_ref[0], efT)
    prfT = _frac(posr_ref[0], efT)
    nfT = _frac(noise_ref[0], efT)

    tf = t_ref[0].astype(f32) * (1.0 / _T)
    sig = jnp.sqrt(jnp.maximum(2.0 * (tf - tf * tf), 0.0))

    delta = pfT - prfT
    objT = tf * (delta - jnp.floor(delta + 0.5)) + sig * nfT
    pos_tT = objT + prfT

    emb = emb_ref[0]

    tg = tg_ref[0]
    ohtT = (lax.broadcasted_iota(jnp.int32, (_T, _G), 0) == tg).astype(f32)
    temb = lax.dot_general(ohtT, tt_ref[...], (((0,), (0,)), ((), ())),
                           preferred_element_type=f32)
    emb = emb + lax.dot_general(seg, temb, (((0,), (0,)), ((), ())),
                                preferred_element_type=f32)

    s_emb = jnp.dot(seg, emb, preferred_element_type=f32)
    s_pos = lax.dot_general(pos_tT, seg, (((1,), (1,)), ((), ())),
                            preferred_element_type=f32)

    term = _NP * pos_tT - jnp.dot(s_pos, seg, preferred_element_type=f32)
    agg = (lax.dot_general(seg, s_emb, (((0,), (0,)), ((), ())),
                           preferred_element_type=f32)
           - emb
           + lax.dot_general(term, wp_ref[...], (((0,), (0,)), ((), ())),
                             preferred_element_type=f32))
    h = emb + jnp.dot(jnp.tanh(agg * (1.0 / _NP)), wm_ref[...],
                      preferred_element_type=f32)
    outT = lax.dot_general(wo_ref[...], jnp.tanh(h), (((0,), (1,)), ((), ())),
                           preferred_element_type=f32)
    outT = outT * mask_ref[0]

    rec_ref[0] = pos_tT - outT

    part = jnp.sum((objT - outT) ** 2, keepdims=True).reshape(1, 1)

    @pl.when(gidx == 0)
    def _init():
        loss_ref[...] = jnp.zeros((1, 1), f32)

    loss_ref[...] += part

    @pl.when(gidx == _NB - 1)
    def _fin():
        loss_ref[...] = loss_ref[...] * (1.0 / (_N * 3))


def kernel(pos, pos_relaxed, atomic_numbers, cell, node2graph, fixed, mask_ads,
           t, noise, edge_index, atom_table, time_table, W_pos, W_msg, W_out):
    posT = pos.reshape(_NB, _GN, 3).transpose(0, 2, 1)
    posrT = pos_relaxed.reshape(_NB, _GN, 3).transpose(0, 2, 1)
    noiseT = noise.reshape(_NB, _GN, 3).transpose(0, 2, 1)
    emb_atom = _sc_gather_rows(atom_table, atomic_numbers).reshape(_NB, _GN, _D)
    t2 = t.reshape(_NB, 1, _GN)
    tg2 = t.reshape(_B, _NP)[:, 0].reshape(_NB, 1, _G)
    mask2 = mask_ads.astype(jnp.float32).reshape(_NB, 1, _GN)
    cellT = cell.reshape(_NB, _G, 9).transpose(0, 2, 1)

    rec, loss = pl.pallas_call(
        _graph_kernel,
        grid=(_NB,),
        in_specs=[
            pl.BlockSpec((1, 3, _GN), lambda g: (g, 0, 0)),
            pl.BlockSpec((1, 3, _GN), lambda g: (g, 0, 0)),
            pl.BlockSpec((1, 3, _GN), lambda g: (g, 0, 0)),
            pl.BlockSpec((1, _GN, _D), lambda g: (g, 0, 0)),
            pl.BlockSpec((1, 1, _GN), lambda g: (g, 0, 0)),
            pl.BlockSpec((1, 1, _G), lambda g: (g, 0, 0)),
            pl.BlockSpec((1, 1, _GN), lambda g: (g, 0, 0)),
            pl.BlockSpec((1, 9, _G), lambda g: (g, 0, 0)),
            pl.BlockSpec((_T, _D), lambda g: (0, 0)),
            pl.BlockSpec((3, _D), lambda g: (0, 0)),
            pl.BlockSpec((_D, _D), lambda g: (0, 0)),
            pl.BlockSpec((_D, 3), lambda g: (0, 0)),
        ],
        out_specs=[
            pl.BlockSpec((1, 3, _GN), lambda g: (g, 0, 0)),
            pl.BlockSpec((1, 1), lambda g: (0, 0)),
        ],
        out_shape=[
            jax.ShapeDtypeStruct((_NB, 3, _GN), jnp.float32),
            jax.ShapeDtypeStruct((1, 1), jnp.float32),
        ],
    )(posT, posrT, noiseT, emb_atom, t2, tg2, mask2, cellT,
      time_table, W_pos, W_msg, W_out)

    return loss[0, 0], rec.transpose(0, 2, 1).reshape(_N, 3)

# --- scband reference (transcript-rebuilt; emitter-appended) ---
"""Pipeline reference for scband-equiv-bbdm-27693949125355 (READ-ONLY COPY).

The authoritative reference and input builder live on the scoring server;
editing this copy changes nothing except your own understanding.
"""

import jax, jax.numpy as jnp
import numpy as np

B = 128
NP = 100
N = B * NP
D = 128
T = 1000
NA = 100


def setup_inputs(seed: int = 0) -> dict:
    key = jax.random.key(seed)
    ks = jax.random.split(key, 12)
    pos = jax.random.normal(ks[0], (N, 3), dtype=jnp.float32) * 5.0
    pos_relaxed = pos + 0.1 * jax.random.normal(ks[1], (N, 3), dtype=jnp.float32)
    atomic_numbers = jax.random.randint(ks[2], (N,), 0, NA, dtype=jnp.int32)
    cell = jnp.tile(jnp.eye(3, dtype=jnp.float32) * 10.0, (B, 1, 1)) + 0.5 * jax.random.normal(ks[3], (B, 3, 3), dtype=jnp.float32)
    node2graph = jnp.repeat(jnp.arange(B, dtype=jnp.int32), NP)
    fixed = jnp.zeros((N,), dtype=bool)
    mask_ads = jnp.ones((N,), dtype=bool)
    t_graph = jax.random.randint(ks[4], (B,), 0, T, dtype=jnp.int32)
    t = t_graph[node2graph]
    noise = jax.random.normal(ks[5], (N, 3), dtype=jnp.float32)
    # full intra-graph edges without self loops (get_full_edges_index)
    idx = np.arange(NP)
    s, d = np.meshgrid(idx, idx, indexing='ij')
    m = s != d
    s0 = s[m].astype(np.int32)
    d0 = d[m].astype(np.int32)
    off = (np.arange(B, dtype=np.int32) * NP)[:, None]
    src = (off + s0[None, :]).reshape(-1)
    dst = (off + d0[None, :]).reshape(-1)
    edge_index = jnp.asarray(np.stack([src, dst]), dtype=jnp.int32)
    # stand-in equivariant score model parameters
    atom_table = 0.02 * jax.random.normal(ks[6], (NA, D), dtype=jnp.float32)
    time_table = 0.02 * jax.random.normal(ks[7], (T, D), dtype=jnp.float32)
    W_pos = 0.1 * jax.random.normal(ks[8], (3, D), dtype=jnp.float32)
    W_msg = jax.random.normal(ks[9], (D, D), dtype=jnp.float32) / jnp.sqrt(D)
    W_out = jax.random.normal(ks[10], (D, 3), dtype=jnp.float32) / jnp.sqrt(D)
    return {
        'pos': pos, 'pos_relaxed': pos_relaxed, 'atomic_numbers': atomic_numbers,
        'cell': cell, 'node2graph': node2graph, 'fixed': fixed, 'mask_ads': mask_ads,
        't': t, 'noise': noise, 'edge_index': edge_index,
        'atom_table': atom_table, 'time_table': time_table,
        'W_pos': W_pos, 'W_msg': W_msg, 'W_out': W_out,
    }


def _score_model(atomic_numbers, t, pos_t, edge_index, mask_ads, atom_table, time_table, W_pos, W_msg, W_out):
    emb = atom_table[atomic_numbers] + time_table[t]
    src = edge_index[0]
    dst = edge_index[1]
    dvec = pos_t[dst] - pos_t[src]
    msg = emb[src] + dvec @ W_pos
    agg = jax.ops.segment_sum(msg, dst, num_segments=emb.shape[0])
    h = emb + jnp.tanh(agg / float(NP)) @ W_msg
    out = jnp.tanh(h) @ W_out
    return jnp.where(mask_ads[:, None], out, 0.0)


def reference(pos, pos_relaxed, atomic_numbers, cell, node2graph, fixed, mask_ads, t, noise, edge_index, atom_table, time_table, W_pos, W_msg, W_out):
    # BBDM schedule (register_schedule): m_t = t/T, var_t = 2*(m_t - m_t^2)
    ts = jnp.arange(T, dtype=jnp.float32) / float(T)
    m_sched = ts
    var_sched = 2.0 * (m_sched - m_sched ** 2)
    inv_cell = jnp.linalg.inv(cell)
    ic = inv_cell[node2graph]
    bm = lambda x, M: jnp.einsum('ni,nij->nj', x, M)
    noise_f = bm(noise, ic)  # frac_noise=True
    pos_init_f = bm(pos, ic)
    pos_relaxed_f = bm(pos_relaxed, ic)
    delta = pos_init_f - pos_relaxed_f
    m_t = m_sched[t][:, None]
    sigma_t = jnp.sqrt(var_sched[t])[:, None]
    # q_sample, train_objective='grad', fractional mode, fixed=False
    objective = m_t * (delta - jnp.floor(delta + 0.5)) + sigma_t * noise_f
    pos_t = objective + pos_relaxed_f
    objective_recon = _score_model(atomic_numbers, t, pos_t, edge_index, mask_ads, atom_table, time_table, W_pos, W_msg, W_out)
    # loss_type='l2'
    recloss = jnp.mean((objective - objective_recon) ** 2)
    pos_relaxed_recon = pos_t - objective_recon
    return (recloss, pos_relaxed_recon)

if __name__ == "__main__":
    import jax
    _d = setup_inputs()
    print(jax.jit(kernel)(*tuple(_d.values())))

</pallas_src>

<mosaic_0001>
#map = affine_map<(d0, d1) -> (0, 0)>
#map1 = affine_map<(d0, d1) -> (0)>
module attributes {stable_mosaic.version = 14 : i64} {
  func.func @k(%arg0: i32, %arg1: i32, %arg2: memref<100x128xf32, #tpu.memory_space<hbm>>, %arg3: memref<12800xi32, #tpu.memory_space<hbm>>, %arg4: memref<12800x128xf32, #tpu.memory_space<hbm>>, %arg5: memref<400xi32, #tpu.memory_space<vmem>>, %arg6: memref<400x128xf32, #tpu.memory_space<vmem>>, %arg7: memref<!tpu.dma_semaphore, #tpu.memory_space<semaphore_mem>>) attributes {dimension_semantics = [#tpu.dimension_semantics<core_parallel>, #tpu.dimension_semantics<subcore_parallel>], iteration_bounds = array<i64: 2, 16>, scalar_prefetch = 0 : i64, scratch_operands = 3 : i64, tpu.core_type = #tpu.core_type<sc_vector_subcore>, window_params = [{transform_indices = #map}, {transform_indices = #map1}, {transform_indices = #map}]} {
    %mul3A = arith.constant 2 : i32
    %mul3A_0 = arith.muli %arg1, %mul3A : i32
    %add3A = arith.addi %mul3A_0, %arg0 : i32
    %mul3A_1 = arith.constant 400 : i32
    %mul3A_2 = arith.muli %add3A, %mul3A_1 : i32
    "tpu.region"() ({
      %run_scoped3A = tpu.sem_alloc : memref<!tpu.dma_semaphore, #tpu.memory_space<semaphore_mem>>
      %dma_start3A_7 = tpu.memref_slice %arg3[%mul3A_2] : memref<12800xi32, #tpu.memory_space<hbm>> -> memref<400xi32, #tpu.memory_space<hbm>>
      %dma_start3A_8 = tpu.memref_slice %arg3[%mul3A_2] : memref<12800xi32, #tpu.memory_space<hbm>> -> memref<400xi32, #tpu.memory_space<hbm>>
      tpu.enqueue_dma source(%dma_start3A_8 : memref<400xi32, #tpu.memory_space<hbm>>) target(%arg5 : memref<400xi32, #tpu.memory_space<vmem>>) target_semaphore(%run_scoped3A : memref<!tpu.dma_semaphore, #tpu.memory_space<semaphore_mem>>)
      %dma_wait3A_9 = tpu.memref_slice %arg3[%mul3A_2] : memref<12800xi32, #tpu.memory_space<hbm>> -> memref<400xi32, #tpu.memory_space<hbm>>
      %dma_wait3A_10 = tpu.memref_slice %arg3[%mul3A_2] : memref<12800xi32, #tpu.memory_space<hbm>> -> memref<400xi32, #tpu.memory_space<hbm>>
      tpu.wait_dma2 semaphore(%run_scoped3A : memref<!tpu.dma_semaphore, #tpu.memory_space<semaphore_mem>>) src(%dma_wait3A_10 : memref<400xi32, #tpu.memory_space<hbm>>) dst(%arg5 : memref<400xi32, #tpu.memory_space<vmem>>)
      tpu.yield
    }) : () -> ()
    %dma_start3A = arith.constant 0 : i32
    %dma_start3A_3 = arith.constant 0 : i32
    %dma_start3A_4 = tpu.memref_slice %arg2[%dma_start3A, %dma_start3A_3] : memref<100x128xf32, #tpu.memory_space<hbm>> -> memref<100x128xf32, #tpu.memory_space<hbm>>
    tpu.enqueue_indirect_dma source(%dma_start3A_4 : memref<100x128xf32, #tpu.memory_space<hbm>>) target(%arg6 : memref<400x128xf32, #tpu.memory_space<vmem>>) offsets(%arg5 : memref<400xi32, #tpu.memory_space<vmem>>) semaphore(%arg7 : memref<!tpu.dma_semaphore, #tpu.memory_space<semaphore_mem>>)
    %dma_wait3A = arith.constant 0 : i32
    %dma_wait3A_5 = arith.constant 0 : i32
    %dma_wait3A_6 = tpu.memref_slice %arg2[%dma_wait3A, %dma_wait3A_5] : memref<100x128xf32, #tpu.memory_space<hbm>> -> memref<100x128xf32, #tpu.memory_space<hbm>>
    tpu.wait_indirect_dma semaphore(%arg7 : memref<!tpu.dma_semaphore, #tpu.memory_space<semaphore_mem>>) src(%dma_wait3A_6 : memref<100x128xf32, #tpu.memory_space<hbm>>) dst(%arg6 : memref<400x128xf32, #tpu.memory_space<vmem>>)
    "tpu.region"() ({
      %run_scoped3A = tpu.sem_alloc : memref<!tpu.dma_semaphore, #tpu.memory_space<semaphore_mem>>
      %dma_start3A_7 = arith.constant 0 : i32
      %dma_start3A_8 = tpu.memref_slice %arg4[%mul3A_2, %dma_start3A_7] : memref<12800x128xf32, #tpu.memory_space<hbm>> -> memref<400x128xf32, #tpu.memory_space<hbm>>
      %dma_start3A_9 = arith.constant 0 : i32
      %dma_start3A_10 = tpu.memref_slice %arg4[%mul3A_2, %dma_start3A_9] : memref<12800x128xf32, #tpu.memory_space<hbm>> -> memref<400x128xf32, #tpu.memory_space<hbm>>
      tpu.enqueue_dma source(%arg6 : memref<400x128xf32, #tpu.memory_space<vmem>>) target(%dma_start3A_10 : memref<400x128xf32, #tpu.memory_space<hbm>>) target_semaphore(%run_scoped3A : memref<!tpu.dma_semaphore, #tpu.memory_space<semaphore_mem>>)
      %dma_wait3A_11 = arith.constant 0 : i32
      %dma_wait3A_12 = tpu.memref_slice %arg4[%mul3A_2, %dma_wait3A_11] : memref<12800x128xf32, #tpu.memory_space<hbm>> -> memref<400x128xf32, #tpu.memory_space<hbm>>
      %dma_wait3A_13 = arith.constant 0 : i32
      %dma_wait3A_14 = tpu.memref_slice %arg4[%mul3A_2, %dma_wait3A_13] : memref<12800x128xf32, #tpu.memory_space<hbm>> -> memref<400x128xf32, #tpu.memory_space<hbm>>
      tpu.wait_dma2 semaphore(%run_scoped3A : memref<!tpu.dma_semaphore, #tpu.memory_space<semaphore_mem>>) src(%arg6 : memref<400x128xf32, #tpu.memory_space<vmem>>) dst(%dma_wait3A_14 : memref<400x128xf32, #tpu.memory_space<hbm>>)
      tpu.yield
    }) : () -> ()
    return
  }
}

module attributes {stable_mosaic.version = 14 : i64} {
  func.func @_graph_kernel(%arg0: i32, %arg1: memref<1x3x12800xf32, #tpu.memory_space<vmem>>, %arg2: memref<1x3x12800xf32, #tpu.memory_space<vmem>>, %arg3: memref<1x3x12800xf32, #tpu.memory_space<vmem>>, %arg4: memref<1x12800x128xf32, #tpu.memory_space<vmem>>, %arg5: memref<1x1x12800xi32, #tpu.memory_space<vmem>>, %arg6: memref<1x1x128xi32, #tpu.memory_space<vmem>>, %arg7: memref<1x1x12800xf32, #tpu.memory_space<vmem>>, %arg8: memref<1x9x128xf32, #tpu.memory_space<vmem>>, %arg9: memref<1000x128xf32, #tpu.memory_space<vmem>>, %arg10: memref<3x128xf32, #tpu.memory_space<vmem>>, %arg11: memref<128x128xf32, #tpu.memory_space<vmem>>, %arg12: memref<128x3xf32, #tpu.memory_space<vmem>>, %arg13: memref<1x3x12800xf32, #tpu.memory_space<vmem>>, %arg14: memref<1x1xf32, #tpu.memory_space<vmem>>) attributes {dimension_semantics = [#tpu.dimension_semantics<arbitrary>], iteration_bounds = array<i64: 1>, scalar_prefetch = 0 : i64, scratch_operands = 0 : i64, tpu.core_type = #tpu.core_type<tc>, window_params = [{transform_indices = @transform_0, window_bounds = array<i64: 1, 3, 12800>}, {transform_indices = @transform_1, window_bounds = array<i64: 1, 3, 12800>}, {transform_indices = @transform_2, window_bounds = array<i64: 1, 3, 12800>}, {transform_indices = @transform_3, window_bounds = array<i64: 1, 12800, 128>}, {transform_indices = @transform_4, window_bounds = array<i64: 1, 1, 12800>}, {transform_indices = @transform_5, window_bounds = array<i64: 1, 1, 128>}, {transform_indices = @transform_6, window_bounds = array<i64: 1, 1, 12800>}, {transform_indices = @transform_7, window_bounds = array<i64: 1, 9, 128>}, {pipeline_mode = #tpu.pipeline_mode<synchronous>, transform_indices = @transform_8, window_bounds = array<i64: 1000, 128>}, {pipeline_mode = #tpu.pipeline_mode<synchronous>, transform_indices = @transform_9, window_bounds = array<i64: 3, 128>}, {pipeline_mode = #tpu.pipeline_mode<synchronous>, transform_indices = @transform_10, window_bounds = array<i64: 128, 128>}, {pipeline_mode = #tpu.pipeline_mode<synchronous>, transform_indices = @transform_11, window_bounds = array<i64: 128, 3>}, {transform_indices = @transform_12, window_bounds = array<i64: 1, 3, 12800>}, {pipeline_mode = #tpu.pipeline_mode<synchronous>, transform_indices = @transform_13, window_bounds = array<i64: 1, 1>}]} {
    %get3A = arith.constant 0 : index
    %get3A_0 = arith.constant 0 : index
    %get3A_1 = arith.constant 0 : index
    %get3A_2 = vector.load %arg8[%get3A, %get3A_0, %get3A_1] : memref<1x9x128xf32, #tpu.memory_space<vmem>>, vector<1x9x128xf32>
    %get3A_3 = vector.shape_cast %get3A_2 : vector<1x9x128xf32> to vector<9x128xf32>
    %slice3A = vector.extract_strided_slice %get3A_3 {offsets = [0, 0], sizes = [1, 128], strides = [1, 1]} : vector<9x128xf32> to vector<1x128xf32>
    %slice3A_4 = vector.extract_strided_slice %get3A_3 {offsets = [1, 0], sizes = [1, 128], strides = [1, 1]} : vector<9x128xf32> to vector<1x128xf32>
    %slice3A_5 = vector.extract_strided_slice %get3A_3 {offsets = [2, 0], sizes = [1, 128], strides = [1, 1]} : vector<9x128xf32> to vector<1x128xf32>
    %slice3A_6 = vector.extract_strided_slice %get3A_3 {offsets = [3, 0], sizes = [1, 128], strides = [1, 1]} : vector<9x128xf32> to vector<1x128xf32>
    %slice3A_7 = vector.extract_strided_slice %get3A_3 {offsets = [4, 0], sizes = [1, 128], strides = [1, 1]} : vector<9x128xf32> to vector<1x128xf32>
    %slice3A_8 = vector.extract_strided_slice %get3A_3 {offsets = [5, 0], sizes = [1, 128], strides = [1, 1]} : vector<9x128xf32> to vector<1x128xf32>
    %slice3A_9 = vector.extract_strided_slice %get3A_3 {offsets = [6, 0], sizes = [1, 128], strides = [1, 1]} : vector<9x128xf32> to vector<1x128xf32>
    %slice3A_10 = vector.extract_strided_slice %get3A_3 {offsets = [7, 0], sizes = [1, 128], strides = [1, 1]} : vector<9x128xf32> to vector<1x128xf32>
    %slice3A_11 = vector.extract_strided_slice %get3A_3 {offsets = [8, 0], sizes = [1, 128], strides = [1, 1]} : vector<9x128xf32> to vector<1x128xf32>
    %mul3A = arith.mulf %slice3A_7, %slice3A_11 : vector<1x128xf32>
    %mul3A_12 = arith.mulf %slice3A_8, %slice3A_10 : vector<1x128xf32>
    %sub3A = arith.subf %mul3A, %mul3A_12 : vector<1x128xf32>
    %mul3A_13 = arith.mulf %slice3A_8, %slice3A_9 : vector<1x128xf32>
    %mul3A_14 = arith.mulf %slice3A_6, %slice3A_11 : vector<1x128xf32>
    %sub3A_15 = arith.subf %mul3A_13, %mul3A_14 : vector<1x128xf32>
    %mul3A_16 = arith.mulf %slice3A_6, %slice3A_10 : vector<1x128xf32>
    %mul3A_17 = arith.mulf %slice3A_7, %slice3A_9 : vector<1x128xf32>
    %sub3A_18 = arith.subf %mul3A_16, %mul3A_17 : vector<1x128xf32>
    %mul3A_19 = arith.mulf %slice3A, %sub3A : vector<1x128xf32>
    %mul3A_20 = arith.mulf %slice3A_4, %sub3A_15 : vector<1x128xf32>
    %add3A = arith.addf %mul3A_19, %mul3A_20 : vector<1x128xf32>
    %mul3A_21 = arith.mulf %slice3A_5, %sub3A_18 : vector<1x128xf32>
    %add3A_22 = arith.addf %add3A, %mul3A_21 : vector<1x128xf32>
    %div3A = arith.constant 1.000000e+00 : f32
    %div3A_23 = vector.broadcast %div3A : f32 to vector<1x128xf32>
    %div3A_24 = arith.divf %div3A_23, %add3A_22 : vector<1x128xf32>
    %mul3A_25 = arith.mulf %sub3A, %div3A_24 : vector<1x128xf32>
    %mul3A_26 = arith.mulf %slice3A_5, %slice3A_10 : vector<1x128xf32>
    %mul3A_27 = arith.mulf %slice3A_4, %slice3A_11 : vector<1x128xf32>
    %sub3A_28 = arith.subf %mul3A_26, %mul3A_27 : vector<1x128xf32>
    %mul3A_29 = arith.mulf %sub3A_28, %div3A_24 : vector<1x128xf32>
    %mul3A_30 = arith.mulf %slice3A_4, %slice3A_8 : vector<1x128xf32>
    %mul3A_31 = arith.mulf %slice3A_5, %slice3A_7 : vector<1x128xf32>
    %sub3A_32 = arith.subf %mul3A_30, %mul3A_31 : vector<1x128xf32>
    %mul3A_33 = arith.mulf %sub3A_32, %div3A_24 : vector<1x128xf32>
    %mul3A_34 = arith.mulf %sub3A_15, %div3A_24 : vector<1x128xf32>
    %mul3A_35 = arith.mulf %slice3A, %slice3A_11 : vector<1x128xf32>
    %mul3A_36 = arith.mulf %slice3A_5, %slice3A_9 : vector<1x128xf32>
    %sub3A_37 = arith.subf %mul3A_35, %mul3A_36 : vector<1x128xf32>
    %mul3A_38 = arith.mulf %sub3A_37, %div3A_24 : vector<1x128xf32>
    %mul3A_39 = arith.mulf %slice3A_5, %slice3A_6 : vector<1x128xf32>
    %mul3A_40 = arith.mulf %slice3A, %slice3A_8 : vector<1x128xf32>
    %sub3A_41 = arith.subf %mul3A_39, %mul3A_40 : vector<1x128xf32>
    %mul3A_42 = arith.mulf %sub3A_41, %div3A_24 : vector<1x128xf32>
    %mul3A_43 = arith.mulf %sub3A_18, %div3A_24 : vector<1x128xf32>
    %mul3A_44 = arith.mulf %slice3A_4, %slice3A_9 : vector<1x128xf32>
    %mul3A_45 = arith.mulf %slice3A, %slice3A_10 : vector<1x128xf32>
    %sub3A_46 = arith.subf %mul3A_44, %mul3A_45 : vector<1x128xf32>
    %mul3A_47 = arith.mulf %sub3A_46, %div3A_24 : vector<1x128xf32>
    %mul3A_48 = arith.mulf %slice3A, %slice3A_7 : vector<1x128xf32>
    %mul3A_49 = arith.mulf %slice3A_4, %slice3A_6 : vector<1x128xf32>
    %sub3A_50 = arith.subf %mul3A_48, %mul3A_49 : vector<1x128xf32>
    %mul3A_51 = arith.mulf %sub3A_50, %div3A_24 : vector<1x128xf32>
    %concatenate3A = tpu.concatenate %mul3A_25, %mul3A_29, %mul3A_33, %mul3A_34, %mul3A_38, %mul3A_42, %mul3A_43, %mul3A_47, %mul3A_51 in 0 : vector<1x128xf32>, vector<1x128xf32>, vector<1x128xf32>, vector<1x128xf32>, vector<1x128xf32>, vector<1x128xf32>, vector<1x128xf32>, vector<1x128xf32>, vector<1x128xf32> -> vector<9x128xf32>
    %iota3A = tpu.iota {dimensions = array<i32: 0>} : vector<128x12800xi32>
    %iota3A_52 = tpu.iota {dimensions = array<i32: 1>} : vector<128x12800xi32>
    %jit3A = arith.constant 100 : i32
    %div3A_53 = vector.broadcast %jit3A : i32 to vector<128x12800xi32>
    %div3A_54 = arith.divsi %iota3A_52, %div3A_53 : vector<128x12800xi32>
    %sign3A = arith.constant 0 : i32
    %sign3A_55 = vector.broadcast %sign3A : i32 to vector<128x12800xi32>
    %sign3A_56 = arith.cmpi sgt, %iota3A_52, %sign3A_55 : vector<128x12800xi32>
    %sign3A_57 = arith.extui %sign3A_56 : vector<128x12800xi1> to vector<128x12800xi32>
    %sign3A_58 = arith.constant 0 : i32
    %sign3A_59 = vector.broadcast %sign3A_58 : i32 to vector<128x12800xi32>
    %sign3A_60 = arith.cmpi slt, %iota3A_52, %sign3A_59 : vector<128x12800xi32>
    %sign3A_61 = arith.extui %sign3A_60 : vector<128x12800xi1> to vector<128x12800xi32>
    %sign3A_62 = arith.subi %sign3A_57, %sign3A_61 : vector<128x12800xi32>
    %sign3A_63 = arith.constant 0 : i32
    %sign3A_64 = arith.cmpi sgt, %jit3A, %sign3A_63 : i32
    %sign3A_65 = arith.extui %sign3A_64 : i1 to i32
    %sign3A_66 = arith.constant 0 : i32
    %sign3A_67 = arith.cmpi slt, %jit3A, %sign3A_66 : i32
    %sign3A_68 = arith.extui %sign3A_67 : i1 to i32
    %sign3A_69 = arith.subi %sign3A_65, %sign3A_68 : i32
    %ne3A = vector.broadcast %sign3A_69 : i32 to vector<128x12800xi32>
    %ne3A_70 = arith.cmpi ne, %sign3A_62, %ne3A : vector<128x12800xi32>
    %rem3A = vector.broadcast %jit3A : i32 to vector<128x12800xi32>
    %rem3A_71 = arith.remsi %iota3A_52, %rem3A : vector<128x12800xi32>
    %ne3A_72 = arith.constant 0 : i32
    %ne3A_73 = vector.broadcast %ne3A_72 : i32 to vector<128x12800xi32>
    %ne3A_74 = arith.cmpi ne, %rem3A_71, %ne3A_73 : vector<128x12800xi32>
    %and3A = arith.andi %ne3A_70, %ne3A_74 : vector<128x12800xi1>
    %sub3A_75 = arith.constant 1 : i32
    %sub3A_76 = vector.broadcast %sub3A_75 : i32 to vector<128x12800xi32>
    %sub3A_77 = arith.subi %div3A_54, %sub3A_76 : vector<128x12800xi32>
    %select_n3A = arith.select %and3A, %sub3A_77, %div3A_54 : vector<128x12800xi1>, vector<128x12800xi32>
    %eq3A = arith.cmpi eq, %iota3A, %select_n3A : vector<128x12800xi32>
    %convert_element_type3A = arith.extui %eq3A : vector<128x12800xi1> to vector<128x12800xi32>
    %convert_element_type3A_78 = arith.sitofp %convert_element_type3A : vector<128x12800xi32> to vector<128x12800xf32>
    %dot_general3A = arith.constant dense<0.000000e+00> : vector<9x12800xf32>
    %dot_general3A_79 = tpu.matmul %concatenate3A, %convert_element_type3A_78, %dot_general3A {dimension_numbers = #tpu.dot_dimension_numbers<[1], [0], [0], [1], [0, 0, 1, 1], [], []>, transpose_lhs_hint = false} : vector<9x128xf32>, vector<128x12800xf32>, vector<9x12800xf32> -> vector<9x12800xf32>
    %get3A_80 = arith.constant 0 : index
    %get3A_81 = arith.constant 0 : index
    %get3A_82 = arith.constant 0 : index
    %get3A_83 = vector.load %arg1[%get3A_80, %get3A_81, %get3A_82] : memref<1x3x12800xf32, #tpu.memory_space<vmem>>, vector<1x3x12800xf32>
    %get3A_84 = vector.shape_cast %get3A_83 : vector<1x3x12800xf32> to vector<3x12800xf32>
    %slice3A_85 = vector.extract_strided_slice %get3A_84 {offsets = [0, 0], sizes = [1, 12800], strides = [1, 1]} : vector<3x12800xf32> to vector<1x12800xf32>
    %slice3A_86 = vector.extract_strided_slice %dot_general3A_79 {offsets = [0, 0], sizes = [1, 12800], strides = [1, 1]} : vector<9x12800xf32> to vector<1x12800xf32>
    %mul3A_87 = arith.mulf %slice3A_85, %slice3A_86 : vector<1x12800xf32>
    %slice3A_88 = vector.extract_strided_slice %get3A_84 {offsets = [1, 0], sizes = [1, 12800], strides = [1, 1]} : vector<3x12800xf32> to vector<1x12800xf32>
    %slice3A_89 = vector.extract_strided_slice %dot_general3A_79 {offsets = [3, 0], sizes = [1, 12800], strides = [1, 1]} : vector<9x12800xf32> to vector<1x12800xf32>
    %mul3A_90 = arith.mulf %slice3A_88, %slice3A_89 : vector<1x12800xf32>
    %add3A_91 = arith.addf %mul3A_87, %mul3A_90 : vector<1x12800xf32>
    %slice3A_92 = vector.extract_strided_slice %get3A_84 {offsets = [2, 0], sizes = [1, 12800], strides = [1, 1]} : vector<3x12800xf32> to vector<1x12800xf32>
    %slice3A_93 = vector.extract_strided_slice %dot_general3A_79 {offsets = [6, 0], sizes = [1, 12800], strides = [1, 1]} : vector<9x12800xf32> to vector<1x12800xf32>
    %mul3A_94 = arith.mulf %slice3A_92, %slice3A_93 : vector<1x12800xf32>
    %add3A_95 = arith.addf %add3A_91, %mul3A_94 : vector<1x12800xf32>
    %slice3A_96 = vector.extract_strided_slice %get3A_84 {offsets = [0, 0], sizes = [1, 12800], strides = [1, 1]} : vector<3x12800xf32> to vector<1x12800xf32>
    %slice3A_97 = vector.extract_strided_slice %dot_general3A_79 {offsets = [1, 0], sizes = [1, 12800], strides = [1, 1]} : vector<9x12800xf32> to vector<1x12800xf32>
    %mul3A_98 = arith.mulf %slice3A_96, %slice3A_97 : vector<1x12800xf32>
    %slice3A_99 = vector.extract_strided_slice %get3A_84 {offsets = [1, 0], sizes = [1, 12800], strides = [1, 1]} : vector<3x12800xf32> to vector<1x12800xf32>
    %slice3A_100 = vector.extract_strided_slice %dot_general3A_79 {offsets = [4, 0], sizes = [1, 12800], strides = [1, 1]} : vector<9x12800xf32> to vector<1x12800xf32>
    %mul3A_101 = arith.mulf %slice3A_99, %slice3A_100 : vector<1x12800xf32>
    %add3A_102 = arith.addf %mul3A_98, %mul3A_101 : vector<1x12800xf32>
    %slice3A_103 = vector.extract_strided_slice %get3A_84 {offsets = [2, 0], sizes = [1, 12800], strides = [1, 1]} : vector<3x12800xf32> to vector<1x12800xf32>
    %slice3A_104 = vector.extract_strided_slice %dot_general3A_79 {offsets = [7, 0], sizes = [1, 12800], strides = [1, 1]} : vector<9x12800xf32> to vector<1x12800xf32>
    %mul3A_105 = arith.mulf %slice3A_103, %slice3A_104 : vector<1x12800xf32>
    %add3A_106 = arith.addf %add3A_102, %mul3A_105 : vector<1x12800xf32>
    %slice3A_107 = vector.extract_strided_slice %get3A_84 {offsets = [0, 0], sizes = [1, 12800], strides = [1, 1]} : vector<3x12800xf32> to vector<1x12800xf32>
    %slice3A_108 = vector.extract_strided_slice %dot_general3A_79 {offsets = [2, 0], sizes = [1, 12800], strides = [1, 1]} : vector<9x12800xf32> to vector<1x12800xf32>
    %mul3A_109 = arith.mulf %slice3A_107, %slice3A_108 : vector<1x12800xf32>
    %slice3A_110 = vector.extract_strided_slice %get3A_84 {offsets = [1, 0], sizes = [1, 12800], strides = [1, 1]} : vector<3x12800xf32> to vector<1x12800xf32>
    %slice3A_111 = vector.extract_strided_slice %dot_general3A_79 {offsets = [5, 0], sizes = [1, 12800], strides = [1, 1]} : vector<9x12800xf32> to vector<1x12800xf32>
    %mul3A_112 = arith.mulf %slice3A_110, %slice3A_111 : vector<1x12800xf32>
    %add3A_113 = arith.addf %mul3A_109, %mul3A_112 : vector<1x12800xf32>
    %slice3A_114 = vector.extract_strided_slice %get3A_84 {offsets = [2, 0], sizes = [1, 12800], strides = [1, 1]} : vector<3x12800xf32> to vector<1x12800xf32>
    %slice3A_115 = vector.extract_strided_slice %dot_general3A_79 {offsets = [8, 0], sizes = [1, 12800], strides = [1, 1]} : vector<9x12800xf32> to vector<1x12800xf32>
    %mul3A_116 = arith.mulf %slice3A_114, %slice3A_115 : vector<1x12800xf32>
    %add3A_117 = arith.addf %add3A_113, %mul3A_116 : vector<1x12800xf32>
    %concatenate3A_118 = tpu.concatenate %add3A_95, %add3A_106, %add3A_117 in 0 : vector<1x12800xf32>, vector<1x12800xf32>, vector<1x12800xf32> -> vector<3x12800xf32>
    %get3A_119 = arith.constant 0 : index
    %get3A_120 = arith.constant 0 : index
    %get3A_121 = arith.constant 0 : index
    %get3A_122 = vector.load %arg2[%get3A_119, %get3A_120, %get3A_121] : memref<1x3x12800xf32, #tpu.memory_space<vmem>>, vector<1x3x12800xf32>
    %get3A_123 = vector.shape_cast %get3A_122 : vector<1x3x12800xf32> to vector<3x12800xf32>
    %slice3A_124 = vector.extract_strided_slice %get3A_123 {offsets = [0, 0], sizes = [1, 12800], strides = [1, 1]} : vector<3x12800xf32> to vector<1x12800xf32>
    %slice3A_125 = vector.extract_strided_slice %dot_general3A_79 {offsets = [0, 0], sizes = [1, 12800], strides = [1, 1]} : vector<9x12800xf32> to vector<1x12800xf32>
    %mul3A_126 = arith.mulf %slice3A_124, %slice3A_125 : vector<1x12800xf32>
    %slice3A_127 = vector.extract_strided_slice %get3A_123 {offsets = [1, 0], sizes = [1, 12800], strides = [1, 1]} : vector<3x12800xf32> to vector<1x12800xf32>
    %slice3A_128 = vector.extract_strided_slice %dot_general3A_79 {offsets = [3, 0], sizes = [1, 12800], strides = [1, 1]} : vector<9x12800xf32> to vector<1x12800xf32>
    %mul3A_129 = arith.mulf %slice3A_127, %slice3A_128 : vector<1x12800xf32>
    %add3A_130 = arith.addf %mul3A_126, %mul3A_129 : vector<1x12800xf32>
    %slice3A_131 = vector.extract_strided_slice %get3A_123 {offsets = [2, 0], sizes = [1, 12800], strides = [1, 1]} : vector<3x12800xf32> to vector<1x12800xf32>
    %slice3A_132 = vector.extract_strided_slice %dot_general3A_79 {offsets = [6, 0], sizes = [1, 12800], strides = [1, 1]} : vector<9x12800xf32> to vector<1x12800xf32>
    %mul3A_133 = arith.mulf %slice3A_131, %slice3A_132 : vector<1x12800xf32>
    %add3A_134 = arith.addf %add3A_130, %mul3A_133 : vector<1x12800xf32>
    %slice3A_135 = vector.extract_strided_slice %get3A_123 {offsets = [0, 0], sizes = [1, 12800], strides = [1, 1]} : vector<3x12800xf32> to vector<1x12800xf32>
    %slice3A_136 = vector.extract_strided_slice %dot_general3A_79 {offsets = [1, 0], sizes = [1, 12800], strides = [1, 1]} : vector<9x12800xf32> to vector<1x12800xf32>
    %mul3A_137 = arith.mulf %slice3A_135, %slice3A_136 : vector<1x12800xf32>
    %slice3A_138 = vector.extract_strided_slice %get3A_123 {offsets = [1, 0], sizes = [1, 12800], strides = [1, 1]} : vector<3x12800xf32> to vector<1x12800xf32>
    %slice3A_139 = vector.extract_strided_slice %dot_general3A_79 {offsets = [4, 0], sizes = [1, 12800], strides = [1, 1]} : vector<9x12800xf32> to vector<1x12800xf32>
    %mul3A_140 = arith.mulf %slice3A_138, %slice3A_139 : vector<1x12800xf32>
    %add3A_141 = arith.addf %mul3A_137, %mul3A_140 : vector<1x12800xf32>
    %slice3A_142 = vector.extract_strided_slice %get3A_123 {offsets = [2, 0], sizes = [1, 12800], strides = [1, 1]} : vector<3x12800xf32> to vector<1x12800xf32>
    %slice3A_143 = vector.extract_strided_slice %dot_general3A_79 {offsets = [7, 0], sizes = [1, 12800], strides = [1, 1]} : vector<9x12800xf32> to vector<1x12800xf32>
    %mul3A_144 = arith.mulf %slice3A_142, %slice3A_143 : vector<1x12800xf32>
    %add3A_145 = arith.addf %add3A_141, %mul3A_144 : vector<1x12800xf32>
    %slice3A_146 = vector.extract_strided_slice %get3A_123 {offsets = [0, 0], sizes = [1, 12800], strides = [1, 1]} : vector<3x12800xf32> to vector<1x12800xf32>
    %slice3A_147 = vector.extract_strided_slice %dot_general3A_79 {offsets = [2, 0], sizes = [1, 12800], strides = [1, 1]} : vector<9x12800xf32> to vector<1x12800xf32>
    %mul3A_148 = arith.mulf %slice3A_146, %slice3A_147 : vector<1x12800xf32>
    %slice3A_149 = vector.extract_strided_slice %get3A_123 {offsets = [1, 0], sizes = [1, 12800], strides = [1, 1]} : vector<3x12800xf32> to vector<1x12800xf32>
    %slice3A_150 = vector.extract_strided_slice %dot_general3A_79 {offsets = [5, 0], sizes = [1, 12800], strides = [1, 1]} : vector<9x12800xf32> to vector<1x12800xf32>
    %mul3A_151 = arith.mulf %slice3A_149, %slice3A_150 : vector<1x12800xf32>
    %add3A_152 = arith.addf %mul3A_148, %mul3A_151 : vector<1x12800xf32>
    %slice3A_153 = vector.extract_strided_slice %get3A_123 {offsets = [2, 0], sizes = [1, 12800], strides = [1, 1]} : vector<3x12800xf32> to vector<1x12800xf32>
    %slice3A_154 = vector.extract_strided_slice %dot_general3A_79 {offsets = [8, 0], sizes = [1, 12800], strides = [1, 1]} : vector<9x12800xf32> to vector<1x12800xf32>
    %mul3A_155 = arith.mulf %slice3A_153, %slice3A_154 : vector<1x12800xf32>
    %add3A_156 = arith.addf %add3A_152, %mul3A_155 : vector<1x12800xf32>
    %concatenate3A_157 = tpu.concatenate %add3A_134, %add3A_145, %add3A_156 in 0 : vector<1x12800xf32>, vector<1x12800xf32>, vector<1x12800xf32> -> vector<3x12800xf32>
    %get3A_158 = arith.constant 0 : index
    %get3A_159 = arith.constant 0 : index
    %get3A_160 = arith.constant 0 : index
    %get3A_161 = vector.load %arg3[%get3A_158, %get3A_159, %get3A_160] : memref<1x3x12800xf32, #tpu.memory_space<vmem>>, vector<1x3x12800xf32>
    %get3A_162 = vector.shape_cast %get3A_161 : vector<1x3x12800xf32> to vector<3x12800xf32>
    %slice3A_163 = vector.extract_strided_slice %get3A_162 {offsets = [0, 0], sizes = [1, 12800], strides = [1, 1]} : vector<3x12800xf32> to vector<1x12800xf32>
    %slice3A_164 = vector.extract_strided_slice %dot_general3A_79 {offsets = [0, 0], sizes = [1, 12800], strides = [1, 1]} : vector<9x12800xf32> to vector<1x12800xf32>
    %mul3A_165 = arith.mulf %slice3A_163, %slice3A_164 : vector<1x12800xf32>
    %slice3A_166 = vector.extract_strided_slice %get3A_162 {offsets = [1, 0], sizes = [1, 12800], strides = [1, 1]} : vector<3x12800xf32> to vector<1x12800xf32>
    %slice3A_167 = vector.extract_strided_slice %dot_general3A_79 {offsets = [3, 0], sizes = [1, 12800], strides = [1, 1]} : vector<9x12800xf32> to vector<1x12800xf32>
    %mul3A_168 = arith.mulf %slice3A_166, %slice3A_167 : vector<1x12800xf32>
    %add3A_169 = arith.addf %mul3A_165, %mul3A_168 : vector<1x12800xf32>
    %slice3A_170 = vector.extract_strided_slice %get3A_162 {offsets = [2, 0], sizes = [1, 12800], strides = [1, 1]} : vector<3x12800xf32> to vector<1x12800xf32>
    %slice3A_171 = vector.extract_strided_slice %dot_general3A_79 {offsets = [6, 0], sizes = [1, 12800], strides = [1, 1]} : vector<9x12800xf32> to vector<1x12800xf32>
    %mul3A_172 = arith.mulf %slice3A_170, %slice3A_171 : vector<1x12800xf32>
    %add3A_173 = arith.addf %add3A_169, %mul3A_172 : vector<1x12800xf32>
    %slice3A_174 = vector.extract_strided_slice %get3A_162 {offsets = [0, 0], sizes = [1, 12800], strides = [1, 1]} : vector<3x12800xf32> to vector<1x12800xf32>
    %slice3A_175 = vector.extract_strided_slice %dot_general3A_79 {offsets = [1, 0], sizes = [1, 12800], strides = [1, 1]} : vector<9x12800xf32> to vector<1x12800xf32>
    %mul3A_176 = arith.mulf %slice3A_174, %slice3A_175 : vector<1x12800xf32>
    %slice3A_177 = vector.extract_strided_slice %get3A_162 {offsets = [1, 0], sizes = [1, 12800], strides = [1, 1]} : vector<3x12800xf32> to vector<1x12800xf32>
    %slice3A_178 = vector.extract_strided_slice %dot_general3A_79 {offsets = [4, 0], sizes = [1, 12800], strides = [1, 1]} : vector<9x12800xf32> to vector<1x12800xf32>
    %mul3A_179 = arith.mulf %slice3A_177, %slice3A_178 : vector<1x12800xf32>
    %add3A_180 = arith.addf %mul3A_176, %mul3A_179 : vector<1x12800xf32>
    %slice3A_181 = vector.extract_strided_slice %get3A_162 {offsets = [2, 0], sizes = [1, 12800], strides = [1, 1]} : vector<3x12800xf32> to vector<1x12800xf32>
    %slice3A_182 = vector.extract_strided_slice %dot_general3A_79 {offsets = [7, 0], sizes = [1, 12800], strides = [1, 1]} : vector<9x12800xf32> to vector<1x12800xf32>
    %mul3A_183 = arith.mulf %slice3A_181, %slice3A_182 : vector<1x12800xf32>
    %add3A_184 = arith.addf %add3A_180, %mul3A_183 : vector<1x12800xf32>
    %slice3A_185 = vector.extract_strided_slice %get3A_162 {offsets = [0, 0], sizes = [1, 12800], strides = [1, 1]} : vector<3x12800xf32> to vector<1x12800xf32>
    %slice3A_186 = vector.extract_strided_slice %dot_general3A_79 {offsets = [2, 0], sizes = [1, 12800], strides = [1, 1]} : vector<9x12800xf32> to vector<1x12800xf32>
    %mul3A_187 = arith.mulf %slice3A_185, %slice3A_186 : vector<1x12800xf32>
    %slice3A_188 = vector.extract_strided_slice %get3A_162 {offsets = [1, 0], sizes = [1, 12800], strides = [1, 1]} : vector<3x12800xf32> to vector<1x12800xf32>
    %slice3A_189 = vector.extract_strided_slice %dot_general3A_79 {offsets = [5, 0], sizes = [1, 12800], strides = [1, 1]} : vector<9x12800xf32> to vector<1x12800xf32>
    %mul3A_190 = arith.mulf %slice3A_188, %slice3A_189 : vector<1x12800xf32>
    %add3A_191 = arith.addf %mul3A_187, %mul3A_190 : vector<1x12800xf32>
    %slice3A_192 = vector.extract_strided_slice %get3A_162 {offsets = [2, 0], sizes = [1, 12800], strides = [1, 1]} : vector<3x12800xf32> to vector<1x12800xf32>
    %slice3A_193 = vector.extract_strided_slice %dot_general3A_79 {offsets = [8, 0], sizes = [1, 12800], strides = [1, 1]} : vector<9x12800xf32> to vector<1x12800xf32>
    %mul3A_194 = arith.mulf %slice3A_192, %slice3A_193 : vector<1x12800xf32>
    %add3A_195 = arith.addf %add3A_191, %mul3A_194 : vector<1x12800xf32>
    %concatenate3A_196 = tpu.concatenate %add3A_173, %add3A_184, %add3A_195 in 0 : vector<1x12800xf32>, vector<1x12800xf32>, vector<1x12800xf32> -> vector<3x12800xf32>
    %get3A_197 = arith.constant 0 : index
    %get3A_198 = arith.constant 0 : index
    %get3A_199 = arith.constant 0 : index
    %get3A_200 = vector.load %arg5[%get3A_197, %get3A_198, %get3A_199] : memref<1x1x12800xi32, #tpu.memory_space<vmem>>, vector<1x1x12800xi32>
    %get3A_201 = vector.shape_cast %get3A_200 : vector<1x1x12800xi32> to vector<1x12800xi32>
    %convert_element_type3A_202 = arith.sitofp %get3A_201 : vector<1x12800xi32> to vector<1x12800xf32>
    %mul3A_203 = arith.constant 1.000000e-03 : f32
    %mul3A_204 = vector.broadcast %mul3A_203 : f32 to vector<1x12800xf32>
    %mul3A_205 = arith.mulf %convert_element_type3A_202, %mul3A_204 : vector<1x12800xf32>
    %mul3A_206 = arith.mulf %mul3A_205, %mul3A_205 : vector<1x12800xf32>
    %sub3A_207 = arith.subf %mul3A_205, %mul3A_206 : vector<1x12800xf32>
    %mul3A_208 = arith.constant 2.000000e+00 : f32
    %mul3A_209 = vector.broadcast %mul3A_208 : f32 to vector<1x12800xf32>
    %mul3A_210 = arith.mulf %mul3A_209, %sub3A_207 : vector<1x12800xf32>
    %max3A = arith.constant 0.000000e+00 : f32
    %max3A_211 = vector.broadcast %max3A : f32 to vector<1x12800xf32>
    %max3A_212 = arith.maximumf %mul3A_210, %max3A_211 : vector<1x12800xf32>
    %sqrt3A = math.sqrt %max3A_212 : vector<1x12800xf32>
    %sub3A_213 = arith.subf %concatenate3A_118, %concatenate3A_157 : vector<3x12800xf32>
    %add3A_214 = arith.constant 5.000000e-01 : f32
    %add3A_215 = vector.broadcast %add3A_214 : f32 to vector<3x12800xf32>
    %add3A_216 = arith.addf %sub3A_213, %add3A_215 : vector<3x12800xf32>
    %floor3A = math.floor %add3A_216 : vector<3x12800xf32>
    %sub3A_217 = arith.subf %sub3A_213, %floor3A : vector<3x12800xf32>
    %mul3A_218 = vector.broadcast %mul3A_205 : vector<1x12800xf32> to vector<3x12800xf32>
    %mul3A_219 = arith.mulf %mul3A_218, %sub3A_217 : vector<3x12800xf32>
    %mul3A_220 = vector.broadcast %sqrt3A : vector<1x12800xf32> to vector<3x12800xf32>
    %mul3A_221 = arith.mulf %mul3A_220, %concatenate3A_196 : vector<3x12800xf32>
    %add3A_222 = arith.addf %mul3A_219, %mul3A_221 : vector<3x12800xf32>
    %add3A_223 = arith.addf %add3A_222, %concatenate3A_157 : vector<3x12800xf32>
    %get3A_224 = arith.constant 0 : index
    %get3A_225 = arith.constant 0 : index
    %get3A_226 = arith.constant 0 : index
    %get3A_227 = vector.load %arg4[%get3A_224, %get3A_225, %get3A_226] : memref<1x12800x128xf32, #tpu.memory_space<vmem>>, vector<1x12800x128xf32>
    %get3A_228 = vector.shape_cast %get3A_227 : vector<1x12800x128xf32> to vector<12800x128xf32>
    %get3A_229 = arith.constant 0 : index
    %get3A_230 = arith.constant 0 : index
    %get3A_231 = arith.constant 0 : index
    %get3A_232 = vector.load %arg6[%get3A_229, %get3A_230, %get3A_231] : memref<1x1x128xi32, #tpu.memory_space<vmem>>, vector<1x1x128xi32>
    %get3A_233 = vector.shape_cast %get3A_232 : vector<1x1x128xi32> to vector<1x128xi32>
    %iota3A_234 = tpu.iota {dimensions = array<i32: 0>} : vector<1000x128xi32>
    %eq3A_235 = vector.broadcast %get3A_233 : vector<1x128xi32> to vector<1000x128xi32>
    %eq3A_236 = arith.cmpi eq, %iota3A_234, %eq3A_235 : vector<1000x128xi32>
    %convert_element_type3A_237 = arith.extui %eq3A_236 : vector<1000x128xi1> to vector<1000x128xi32>
    %convert_element_type3A_238 = arith.sitofp %convert_element_type3A_237 : vector<1000x128xi32> to vector<1000x128xf32>
    %get3A_239 = arith.constant 0 : index
    %get3A_240 = arith.constant 0 : index
    %get3A_241 = vector.load %arg9[%get3A_239, %get3A_240] : memref<1000x128xf32, #tpu.memory_space<vmem>>, vector<1000x128xf32>
    %dot_general3A_242 = arith.constant dense<0.000000e+00> : vector<128x128xf32>
    %dot_general3A_243 = tpu.matmul %convert_element_type3A_238, %get3A_241, %dot_general3A_242 {dimension_numbers = #tpu.dot_dimension_numbers<[0], [0], [1], [1], [0, 1, 1, 1], [], []>, transpose_lhs_hint = false} : vector<1000x128xf32>, vector<1000x128xf32>, vector<128x128xf32> -> vector<128x128xf32>
    %dot_general3A_244 = arith.constant dense<0.000000e+00> : vector<12800x128xf32>
    %dot_general3A_245 = tpu.matmul %convert_element_type3A_78, %dot_general3A_243, %dot_general3A_244 {dimension_numbers = #tpu.dot_dimension_numbers<[0], [0], [1], [1], [0, 1, 1, 1], [], []>, transpose_lhs_hint = false} : vector<128x12800xf32>, vector<128x128xf32>, vector<12800x128xf32> -> vector<12800x128xf32>
    %add3A_246 = arith.addf %get3A_228, %dot_general3A_245 : vector<12800x128xf32>
    %dot_general3A_247 = arith.constant dense<0.000000e+00> : vector<128x128xf32>
    %dot_general3A_248 = tpu.matmul %convert_element_type3A_78, %add3A_246, %dot_general3A_247 {dimension_numbers = #tpu.dot_dimension_numbers<[1], [0], [0], [1], [0, 0, 1, 1], [], []>, transpose_lhs_hint = false} : vector<128x12800xf32>, vector<12800x128xf32>, vector<128x128xf32> -> vector<128x128xf32>
    %dot_general3A_249 = arith.constant dense<0.000000e+00> : vector<3x128xf32>
    %dot_general3A_250 = tpu.matmul %add3A_223, %convert_element_type3A_78, %dot_general3A_249 {dimension_numbers = #tpu.dot_dimension_numbers<[1], [1], [0], [0], [0, 0, 1, 0], [], []>, transpose_lhs_hint = false} : vector<3x12800xf32>, vector<128x12800xf32>, vector<3x128xf32> -> vector<3x128xf32>
    %mul3A_251 = arith.constant 1.000000e+02 : f32
    %mul3A_252 = vector.broadcast %mul3A_251 : f32 to vector<3x12800xf32>
    %mul3A_253 = arith.mulf %mul3A_252, %add3A_223 : vector<3x12800xf32>
    %dot_general3A_254 = arith.constant dense<0.000000e+00> : vector<3x12800xf32>
    %dot_general3A_255 = tpu.matmul %dot_general3A_250, %convert_element_type3A_78, %dot_general3A_254 {dimension_numbers = #tpu.dot_dimension_numbers<[1], [0], [0], [1], [0, 0, 1, 1], [], []>, transpose_lhs_hint = false} : vector<3x128xf32>, vector<128x12800xf32>, vector<3x12800xf32> -> vector<3x12800xf32>
    %sub3A_256 = arith.subf %mul3A_253, %dot_general3A_255 : vector<3x12800xf32>
    %dot_general3A_257 = arith.constant dense<0.000000e+00> : vector<12800x128xf32>
    %dot_general3A_258 = tpu.matmul %convert_element_type3A_78, %dot_general3A_248, %dot_general3A_257 {dimension_numbers = #tpu.dot_dimension_numbers<[0], [0], [1], [1], [0, 1, 1, 1], [], []>, transpose_lhs_hint = false} : vector<128x12800xf32>, vector<128x128xf32>, vector<12800x128xf32> -> vector<12800x128xf32>
    %sub3A_259 = arith.subf %dot_general3A_258, %add3A_246 : vector<12800x128xf32>
    %get3A_260 = arith.constant 0 : index
    %get3A_261 = arith.constant 0 : index
    %get3A_262 = vector.load %arg10[%get3A_260, %get3A_261] : memref<3x128xf32, #tpu.memory_space<vmem>>, vector<3x128xf32>
    %dot_general3A_263 = arith.constant dense<0.000000e+00> : vector<12800x128xf32>
    %dot_general3A_264 = tpu.matmul %sub3A_256, %get3A_262, %dot_general3A_263 {dimension_numbers = #tpu.dot_dimension_numbers<[0], [0], [1], [1], [0, 1, 1, 1], [], []>, transpose_lhs_hint = false} : vector<3x12800xf32>, vector<3x128xf32>, vector<12800x128xf32> -> vector<12800x128xf32>
    %add3A_265 = arith.addf %sub3A_259, %dot_general3A_264 : vector<12800x128xf32>
    %mul3A_266 = arith.constant 0.00999999977 : f32
    %mul3A_267 = vector.broadcast %mul3A_266 : f32 to vector<12800x128xf32>
    %mul3A_268 = arith.mulf %add3A_265, %mul3A_267 : vector<12800x128xf32>
    %tanh3A = math.tanh %mul3A_268 : vector<12800x128xf32>
    %get3A_269 = arith.constant 0 : index
    %get3A_270 = arith.constant 0 : index
    %get3A_271 = vector.load %arg11[%get3A_269, %get3A_270] : memref<128x128xf32, #tpu.memory_space<vmem>>, vector<128x128xf32>
    %dot_general3A_272 = arith.constant dense<0.000000e+00> : vector<12800x128xf32>
    %dot_general3A_273 = tpu.matmul %tanh3A, %get3A_271, %dot_general3A_272 {dimension_numbers = #tpu.dot_dimension_numbers<[1], [0], [0], [1], [0, 0, 1, 1], [], []>, transpose_lhs_hint = false} : vector<12800x128xf32>, vector<128x128xf32>, vector<12800x128xf32> -> vector<12800x128xf32>
    %add3A_274 = arith.addf %add3A_246, %dot_general3A_273 : vector<12800x128xf32>
    %get3A_275 = arith.constant 0 : index
    %get3A_276 = arith.constant 0 : index
    %get3A_277 = vector.load %arg12[%get3A_275, %get3A_276] : memref<128x3xf32, #tpu.memory_space<vmem>>, vector<128x3xf32>
    %tanh3A_278 = math.tanh %add3A_274 : vector<12800x128xf32>
    %dot_general3A_279 = arith.constant dense<0.000000e+00> : vector<3x12800xf32>
    %dot_general3A_280 = tpu.matmul %get3A_277, %tanh3A_278, %dot_general3A_279 {dimension_numbers = #tpu.dot_dimension_numbers<[0], [1], [1], [0], [0, 1, 1, 0], [], []>, transpose_lhs_hint = false} : vector<128x3xf32>, vector<12800x128xf32>, vector<3x12800xf32> -> vector<3x12800xf32>
    %get3A_281 = arith.constant 0 : index
    %get3A_282 = arith.constant 0 : index
    %get3A_283 = arith.constant 0 : index
    %get3A_284 = vector.load %arg7[%get3A_281, %get3A_282, %get3A_283] : memref<1x1x12800xf32, #tpu.memory_space<vmem>>, vector<1x1x12800xf32>
    %get3A_285 = vector.shape_cast %get3A_284 : vector<1x1x12800xf32> to vector<1x12800xf32>
    %mul3A_286 = vector.broadcast %get3A_285 : vector<1x12800xf32> to vector<3x12800xf32>
    %mul3A_287 = arith.mulf %dot_general3A_280, %mul3A_286 : vector<3x12800xf32>
    %sub3A_288 = arith.subf %add3A_223, %mul3A_287 : vector<3x12800xf32>
    %swap3A = arith.constant 0 : index
    %swap3A_289 = arith.constant 0 : index
    %swap3A_290 = arith.constant 0 : index
    %swap3A_291 = vector.load %arg13[%swap3A, %swap3A_289, %swap3A_290] : memref<1x3x12800xf32, #tpu.memory_space<vmem>>, vector<1x3x12800xf32>
    %swap3A_292 = vector.shape_cast %swap3A_291 : vector<1x3x12800xf32> to vector<3x12800xf32>
    %swap3A_293 = vector.shape_cast %sub3A_288 : vector<3x12800xf32> to vector<1x3x12800xf32>
    tpu.vector_store %arg13[%swap3A, %swap3A_289, %swap3A_290], %swap3A_293 {strides = array<i32>} : memref<1x3x12800xf32, #tpu.memory_space<vmem>>, vector<1x3x12800xf32>,
    %sub3A_294 = arith.subf %add3A_222, %mul3A_287 : vector<3x12800xf32>
    %integer_pow3A = arith.mulf %sub3A_294, %sub3A_294 : vector<3x12800xf32>
    %reduce_sum3A = vector.shape_cast %integer_pow3A : vector<3x12800xf32> to vector<1x3x12800xf32>
    %reduce_sum3A_295 = arith.constant dense<0.000000e+00> : vector<1xf32>
    %reduce_sum3A_296 = vector.multi_reduction <add>, %reduce_sum3A, %reduce_sum3A_295 [1, 2] : vector<1x3x12800xf32> to vector<1xf32>
    %reduce_sum3A_297 = vector.shape_cast %reduce_sum3A_296 : vector<1xf32> to vector<1x1x1xf32>
    %reduce_sum3A_298 = vector.extract %reduce_sum3A_297[0, 0, 0] : f32 from vector<1x1x1xf32>
    %broadcast_in_dim3A = vector.broadcast %reduce_sum3A_298 : f32 to vector<1x1xf32>
    %eq3A_299 = arith.constant 0 : i32
    %eq3A_300 = arith.cmpi eq, %arg0, %eq3A_299 : i32
    %convert_element_type3A_301 = arith.extui %eq3A_300 : i1 to i32
    %cond3A = arith.constant 0 : i32
    %cond3A_302 = arith.cmpi ne, %convert_element_type3A_301, %cond3A : i32
    scf.if %cond3A_302 {
      %broadcast_in_dim3A_315 = arith.constant 0.000000e+00 : f32
      %broadcast_in_dim3A_316 = vector.broadcast %broadcast_in_dim3A_315 : f32 to vector<1x1xf32>
      %swap3A_317 = arith.constant 0 : index
      %swap3A_318 = arith.constant 0 : index
      %swap3A_319 = vector.load %arg14[%swap3A_317, %swap3A_318] : memref<1x1xf32, #tpu.memory_space<vmem>>, vector<1x1xf32>
      tpu.vector_store %arg14[%swap3A_317, %swap3A_318], %broadcast_in_dim3A_316 {strides = array<i32>} : memref<1x1xf32, #tpu.memory_space<vmem>>, vector<1x1xf32>,
    } else {
    }
    %get3A_303 = arith.constant 0 : index
    %get3A_304 = arith.constant 0 : index
    %get3A_305 = vector.load %arg14[%get3A_303, %get3A_304] : memref<1x1xf32, #tpu.memory_space<vmem>>, vector<1x1xf32>
    %add3A_306 = arith.addf %get3A_305, %broadcast_in_dim3A : vector<1x1xf32>
    %swap3A_307 = arith.constant 0 : index
    %swap3A_308 = arith.constant 0 : index
    %swap3A_309 = vector.load %arg14[%swap3A_307, %swap3A_308] : memref<1x1xf32, #tpu.memory_space<vmem>>, vector<1x1xf32>
    tpu.vector_store %arg14[%swap3A_307, %swap3A_308], %add3A_306 {strides = array<i32>} : memref<1x1xf32, #tpu.memory_space<vmem>>, vector<1x1xf32>,
    %eq3A_310 = arith.constant 0 : i32
    %eq3A_311 = arith.cmpi eq, %arg0, %eq3A_310 : i32
    %convert_element_type3A_312 = arith.extui %eq3A_311 : i1 to i32
    %cond3A_313 = arith.constant 0 : i32
    %cond3A_314 = arith.cmpi ne, %convert_element_type3A_312, %cond3A_313 : i32
    scf.if %cond3A_314 {
      %get3A_315 = arith.constant 0 : index
      %get3A_316 = arith.constant 0 : index
      %get3A_317 = vector.load %arg14[%get3A_315, %get3A_316] : memref<1x1xf32, #tpu.memory_space<vmem>>, vector<1x1xf32>
      %mul3A_318 = arith.constant 2.60416673E-5 : f32
      %mul3A_319 = vector.broadcast %mul3A_318 : f32 to vector<1x1xf32>
      %mul3A_320 = arith.mulf %get3A_317, %mul3A_319 : vector<1x1xf32>
      %swap3A_321 = arith.constant 0 : index
      %swap3A_322 = arith.constant 0 : index
      %swap3A_323 = vector.load %arg14[%swap3A_321, %swap3A_322] : memref<1x1xf32, #tpu.memory_space<vmem>>, vector<1x1xf32>
      tpu.vector_store %arg14[%swap3A_321, %swap3A_322], %mul3A_320 {strides = array<i32>} : memref<1x1xf32, #tpu.memory_space<vmem>>, vector<1x1xf32>,
    } else {
    }
    return
  }
  func.func @transform_0(%arg0: i32) -> (i32, i32, i32) {
    %c0_i32 = arith.constant 0 : i32
    %c0_i32_0 = arith.constant 0 : i32
    %c0_i32_1 = arith.constant 0 : i32
    return %arg0, %c0_i32, %c0_i32_0 : i32, i32, i32
  }
  func.func @transform_1(%arg0: i32) -> (i32, i32, i32) {
    %c0_i32 = arith.constant 0 : i32
    %c0_i32_0 = arith.constant 0 : i32
    %c0_i32_1 = arith.constant 0 : i32
    return %arg0, %c0_i32, %c0_i32_0 : i32, i32, i32
  }
  func.func @transform_2(%arg0: i32) -> (i32, i32, i32) {
    %c0_i32 = arith.constant 0 : i32
    %c0_i32_0 = arith.constant 0 : i32
    %c0_i32_1 = arith.constant 0 : i32
    return %arg0, %c0_i32, %c0_i32_0 : i32, i32, i32
  }
  func.func @transform_3(%arg0: i32) -> (i32, i32, i32) {
    %c0_i32 = arith.constant 0 : i32
    %c0_i32_0 = arith.constant 0 : i32
    %c0_i32_1 = arith.constant 0 : i32
    return %arg0, %c0_i32, %c0_i32_0 : i32, i32, i32
  }
  func.func @transform_4(%arg0: i32) -> (i32, i32, i32) {
    %c0_i32 = arith.constant 0 : i32
    %c0_i32_0 = arith.constant 0 : i32
    %c0_i32_1 = arith.constant 0 : i32
    return %arg0, %c0_i32, %c0_i32_0 : i32, i32, i32
  }
  func.func @transform_5(%arg0: i32) -> (i32, i32, i32) {
    %c0_i32 = arith.constant 0 : i32
    %c0_i32_0 = arith.constant 0 : i32
    %c0_i32_1 = arith.constant 0 : i32
    return %arg0, %c0_i32, %c0_i32_0 : i32, i32, i32
  }
  func.func @transform_6(%arg0: i32) -> (i32, i32, i32) {
    %c0_i32 = arith.constant 0 : i32
    %c0_i32_0 = arith.constant 0 : i32
    %c0_i32_1 = arith.constant 0 : i32
    return %arg0, %c0_i32, %c0_i32_0 : i32, i32, i32
  }
  func.func @transform_7(%arg0: i32) -> (i32, i32, i32) {
    %c0_i32 = arith.constant 0 : i32
    %c0_i32_0 = arith.constant 0 : i32
    %c0_i32_1 = arith.constant 0 : i32
    return %arg0, %c0_i32, %c0_i32_0 : i32, i32, i32
  }
  func.func @transform_8(%arg0: i32) -> (i32, i32) {
    %c0_i32 = arith.constant 0 : i32
    %c0_i32_0 = arith.constant 0 : i32
    %c0_i32_1 = arith.constant 0 : i32
    return %c0_i32, %c0_i32_0 : i32, i32
  }
  func.func @transform_9(%arg0: i32) -> (i32, i32) {
    %c0_i32 = arith.constant 0 : i32
    %c0_i32_0 = arith.constant 0 : i32
    %c0_i32_1 = arith.constant 0 : i32
    return %c0_i32, %c0_i32_0 : i32, i32
  }
  func.func @transform_10(%arg0: i32) -> (i32, i32) {
    %c0_i32 = arith.constant 0 : i32
    %c0_i32_0 = arith.constant 0 : i32
    %c0_i32_1 = arith.constant 0 : i32
    return %c0_i32, %c0_i32_0 : i32, i32
  }
  func.func @transform_11(%arg0: i32) -> (i32, i32) {
    %c0_i32 = arith.constant 0 : i32
    %c0_i32_0 = arith.constant 0 : i32
    %c0_i32_1 = arith.constant 0 : i32
    return %c0_i32, %c0_i32_0 : i32, i32
  }
  func.func @transform_12(%arg0: i32) -> (i32, i32, i32) {
    %c0_i32 = arith.constant 0 : i32
    %c0_i32_0 = arith.constant 0 : i32
    %c0_i32_1 = arith.constant 0 : i32
    return %arg0, %c0_i32, %c0_i32_0 : i32, i32, i32
  }
  func.func @transform_13(%arg0: i32) -> (i32, i32) {
    %c0_i32 = arith.constant 0 : i32
    %c0_i32_0 = arith.constant 0 : i32
    %c0_i32_1 = arith.constant 0 : i32
    return %c0_i32, %c0_i32_0 : i32, i32
  }
}

</mosaic_0001>

<sc_bundles>
// kernel: kernel.4.cloned.1.call-start
scs
__scs_entry_jumppad:
0x0: {  	(pc) =	sbr.rel $0x88, $3  }
0x1: {  	(tag) =	ssettag $0x0;
	lr =	simm.s32 $0x1  }
0x2: {  	[smem:$0x3F95] =	sst lr;
	_ =	strace $0xD0000000  }
0x3: {  	_ = 	snop  }
0x4: {  	_ = 	snop  }
0x5: {  	_ = 	snop  }
0x6: {  	_ = 	snop  }
0x7: {  	_ = 	snop  }
__scs_overlays_trampoline_lowered:
0x8: {  	[smem:$0x3FA4] =	sst s0  }
0x9: {  	[smem:$0x3FA5] =	sst s1  }
0xa: {  	[smem:$0x3FA6] =	sst s2  }
0xb: {  	[smem:$0x3FA7] =	sst s3  }
0xc: {  	[smem:$0x3FA8] =	sst s4  }
0xd: {  	[smem:$0x3FA9] =	sst s5  }
0xe: {  	[smem:$0x3FAA] =	sst s6  }
0xf: {  	[smem:$0x3FAB] =	sst s7  }
0x10: {  	[smem:$0x3FAC] =	sst s8  }
0x11: {  	[smem:$0x3FAD] =	sst s9;
	s0 =	simm.s32 @!p0 $0x0  }
0x12: {  	s1 =	sld [smem:$0x3F93];
	s0 =	simm.s32 @p0 $0x1  }
0x13: {  	[smem:$0x3FAE] =	sst s0;
	s0 =	simm.s32 @!p1 $0x0  }
0x14: {  	s2 =	sld [smem:$0x3F92];
	s0 =	simm.s32 @p1 $0x1  }
0x15: {  	[smem:$0x3FAF] =	sst s0;
	s0 =	simm.s32 @!p2 $0x0  }
0x16: {  	s3 =	sld [smem:$0x3FDB];
	s0 =	simm.s32 @p2 $0x1  }
0x17: {  	s4 =	simm.s32 $0x1BF5;
	[smem:$0x3FB1] =	sst s0  }
0x18: {  	s0 =	sld [smem:$0x3F94];
	_ =	swait.ge [sflag:s4], $0x0  }
0x19: {  	s7 =	sld [smem:$0x3F95]  }
0x1a: {  	s8 =	sadd.s32 $0xFFFFE003, lr  }
0x1b: {  	s9 =	sadd.s32 $0xFFFFFEF7, lr;
	s5 =	simm.s32 $0xFFFFFFFF;
	p2 =	slt.u32 s8, $0xFFFFF086  }
0x1c: {  	p1 =	slt.u32 s9, $0xF7A;
	s5 =	simm.s32 @!p2 $0x0  }
0x1d: {  	s5 =	simm.s32 @p1 $0x1;
	p0 =	seq.s32 s7, s2  }
0x1e: {  	s7 =	smul.u32 @!p0 $0xF7A, s2;
	p2 =	seq.s32 @!p0 s5, $0x0  }
0x1f: {  	s9 =	smul.u32 $0xF7A, s1;
	s8 =	simm.s32 @!p0 $0x1BF5;
	p2 =	por !p2, p0  }
0x20: {  	[sflag:s8] =	ssyncset.s32 @!p0 $0xFFFFF086;
	s6 =	sadd.s32 @!p0 s3, s7;
	s7 =	simm.s32 @!p0 $0x108  }
0x21: {  	s3 =	sadd.s32 s3, s9;
	s6 =	sadd.s32 @!p0 $0x88, s6;
	s7 =	simm.s32 @p2 $0x1082  }
0x22: {  	[simem:s7], [sflag:s8] =	dma.local @!p0 [hbm:s6], $0xF7A  }
0x23: {  	s9 =	sor.u32 $0xD0000000, s2;
	s6 =	simm.s32 $0x108;
	_ =	swait.ge @!p0 [sflag:s8], $0x0  }
0x24: {  	s3 =	sadd.s32 $0x88, s3;
	s6 =	simm.s32 @!p1 $0x1082;
	[sflag:s4] =	ssyncset.s32 $0xFFFFF086  }
0x25: {  	[simem:s6], [sflag:s4] =	dma.local [hbm:s3], $0xF7A  }
0x26: {  	[smem:$0x3F95] =	sst s1;
	(tag) =	ssettag s2;
	_ =	strace s9  }
0x27: {  	s1 =	sld [smem:$0x3FA5]  }
0x28: {  	s2 =	sld [smem:$0x3FA6]  }
0x29: {  	s4 =	sld [smem:$0x3FA8]  }
0x2a: {  	p0 =	seq.s32 s5, $0x0;
	s5 =	sld [smem:$0x3FA9]  }
0x2b: {  	s6 =	sld [smem:$0x3FAA]  }
0x2c: {  	s7 =	sld [smem:$0x3FAB]  }
0x2d: {  	s3 =	simm.s32 $0x108;
	s8 =	sld [smem:$0x3FAC]  }
0x2e: {  	s3 =	simm.s32 @!p0 $0x1082;
	s9 =	sld [smem:$0x3FAD]  }
0x2f: {  	lr =	sadd.s32 s0, s3;
	s0 =	sld [smem:$0x3FA4]  }
0x30: {  	s3 =	sld [smem:$0x3FA7]  }
0x31: {  	[smem:$0x3FB0] =	sst s10  }
0x32: {  	s10 =	sld [smem:$0x3FAE];
	_ =	sdelay $0x3  }
0x33: {  	p0 =	seq.s32 s10, $0x1;
	s10 =	sld [smem:$0x3FB0];
	_ =	sdelay $0x3  }
0x34: {  	[smem:$0x3FB0] =	sst s10  }
0x35: {  	s10 =	sld [smem:$0x3FAF];
	_ =	sdelay $0x3  }
0x36: {  	p1 =	seq.s32 s10, $0x1;
	s10 =	sld [smem:$0x3FB0];
	_ =	sdelay $0x3  }
0x37: {  	[smem:$0x3FB0] =	sst s10  }
0x38: {  	s10 =	sld [smem:$0x3FB1]  }
0x39: {  	_ = 	snop;
	(pc) =	sbr.ind lr, $3  }
0x3a: {  	_ = 	snop  }
0x3b: {  	_ = 	snop  }
0x3c: {  	p2 =	seq.s32 s10, $0x1;
	s10 =	sld [smem:$0x3FB0]  }
0x3d: {  	_ =	shalt  }
0x3e: {  	_ =	shalt  }
0x3f: {  	_ =	shalt  }
0x40: {  	_ =	shalt  }
0x41: {  	_ =	shalt  }
0x42: {  	_ =	shalt  }
0x43: {  	_ =	shalt  }
0x44: {  	_ =	shalt  }
0x45: {  	_ =	shalt  }
0x46: {  	_ =	shalt  }
0x47: {  	_ =	shalt  }
0x48: {  	_ =	shalt  }
0x49: {  	_ =	shalt  }
0x4a: {  	_ =	shalt  }
0x4b: {  	_ =	shalt  }
0x4c: {  	_ =	shalt  }
0x4d: {  	_ =	shalt  }
0x4e: {  	_ =	shalt  }
0x4f: {  	_ =	shalt  }
0x50: {  	_ =	shalt  }
0x51: {  	_ =	shalt  }
0x52: {  	_ =	shalt  }
0x53: {  	_ =	shalt  }
0x54: {  	_ =	shalt  }
0x55: {  	_ =	shalt  }
0x56: {  	_ =	shalt  }
0x57: {  	_ =	shalt  }
0x58: {  	_ =	shalt  }
0x59: {  	_ =	shalt  }
0x5a: {  	_ =	shalt  }
0x5b: {  	_ =	shalt  }
0x5c: {  	_ =	shalt  }
0x5d: {  	_ =	shalt  }
0x5e: {  	_ =	shalt  }
0x5f: {  	_ =	shalt  }
0x60: {  	_ =	shalt  }
0x61: {  	_ =	shalt  }
0x62: {  	_ =	shalt  }
0x63: {  	_ =	shalt  }
0x64: {  	_ =	shalt  }
0x65: {  	_ =	shalt  }
0x66: {  	_ =	shalt  }
0x67: {  	_ =	shalt  }
0x68: {  	_ =	shalt  }
0x69: {  	_ =	shalt  }
0x6a: {  	_ =	shalt  }
0x6b: {  	_ =	shalt  }
0x6c: {  	_ =	shalt  }
0x6d: {  	_ =	shalt  }
0x6e: {  	_ =	shalt  }
0x6f: {  	_ =	shalt  }
0x70: {  	_ =	shalt  }
0x71: {  	_ =	shalt  }
0x72: {  	_ =	shalt  }
0x73: {  	_ =	shalt  }
0x74: {  	_ =	shalt  }
0x75: {  	_ =	shalt  }
0x76: {  	_ =	shalt  }
0x77: {  	_ =	shalt  }
0x78: {  	_ =	shalt  }
0x79: {  	_ =	shalt  }
0x7a: {  	_ =	shalt  }
0x7b: {  	_ =	shalt  }
0x7c: {  	_ =	shalt  }
0x7d: {  	_ =	shalt  }
0x7e: {  	_ =	shalt  }
0x7f: {  	_ =	shalt  }
0x80: {  	_ =	shalt  }
0x81: {  	_ =	shalt  }
0x82: {  	_ =	shalt  }
0x83: {  	_ =	shalt  }
0x84: {  	_ =	shalt  }
0x85: {  	_ =	shalt  }
0x86: {  	_ =	shalt  }
0x87: {  	_ =	shalt  }
.Lfunc_end0:
.L_simem_size_0:
called_computation_lowered:
.L_overlay_start_0:
0x88: {  	s2 =	sld [smem:$0x3FD9]  }
0x89: {  	s3 =	sld [smem:$0x3FFE];
	_ =	sdelay $0x1  }
0x8a: {  	s1 =	srdreg.scid  }
0x8b: {  	s0 =	sand.u32 $0x1, s1  }
0x8c: {  	s17 =	sshll.u32 s0, $0xA;
	s2 =	sadd.s32 s3, s2  }
0x8d: {  	s2 =	sadd.s32 s2, s17  }
0x8e: {  	[smem:$0x3FBC] =	sst s2  }
0x8f: {  	_ = 	snop  }
0x90: {  	s2 =	sld [smem:$0x3FC7]  }
0x91: {  	s18 =	sld [smem:$0x3FC2];
	(tm) =	ssettm $0x1  }
0x92: {  	s4 =	sld [smem:$0x3FFB];
	_ =	sdelay $0x3  }
0x93: {  	_ =	strace s4  }
0x94: {  	s4 =	sld [smem:$0x3FFC];
	_ =	sdelay $0x3  }
0x95: {  	_ =	strace s4  }
0x96: {  	s4 =	sld [smem:$0x3FFD];
	_ =	sdelay $0x3  }
0x97: {  	_ =	strace s4  }
0x98: {  	_ =	strace $0x8FFFFFFF  }
0x99: {  	s19 =	sld [smem:$0x3FDB];
	_ =	sdelay $0x1  }
0x9a: {  	s5 =	simm.s32 $_scs_section_size  }
0x9b: {  	s6 =	simm.s32 $_size__tile_overlayer_lowered;
	s7 =	simm.s32 $_tile_overlayer_lowered  }
0x9c: {  	s22 =	simm.s32 $0x1BFF;
	s21 =	sshll.u32 s7, $0x1;
	s4 =	sadd.s32 s5, s19  }
0x9d: {  	s8 =	simm.s32 $0x0;
	s20 =	sshll.u32 s6, $0x1;
	s6 =	sadd.s32 s21, s4  }
0x9e: {  	[timem:s8], [sflag:s22] =	dma.local [hbm:s6], s20  }
0x9f: {  	_ =	swait.ge [sflag:s22], s20  }
0xa0: {  	s5 =	ssub.s32 $0x0, s20;
	[sflag:s22] =	ssyncset.done $0x0  }
0xa1: {  	[sflag:s22] =	ssyncadd.s32 s5;
	_ =	sdelay $0x1  }
0xa2: {  	s23 =	simm.s32 $0x1B8B  }
0xa3: {  	_ =	swait.ge [sflag:s23], $0x1  }
0xa4: {  	[sflag:s23] =	ssyncset.done $0x0  }
0xa5: {  	s25 =	simm.s32 $0x1B8E;
	s24 =	sld [smem:$0x3FFE];
	[sflag:s23] =	ssyncadd.s32 $0xFFFFFFFF  }
0xa6: {  	s26 =	simm.s32 $execute0_lowered;
	[smem:$0x3FD2] =	sst s25  }
0xa7: {  	s6 =	sshll.u32 s26, $0x1;
	_ =	strace $0x80000046;
	[dreg:$0x1] =	wrdreg $0xFFFFFFFF  }
0xa8: {  	s28 =	simm.s32 $_size_execute0_lowered;
	s4 =	sadd.s32 s4, s6;
	[dreg:$0x0] =	wrdreg $0x0  }
0xa9: {  	s6 =	sshll.u32 s28, $0x1;
	[dreg:$0x2] =	wrdreg s4  }
0xaa: {  	[dreg:$0x3] =	wrdreg s6  }
0xab: {  	[dreg:$0x4] =	wrdreg $0xC0  }
0xac: {  	_ =	task [dreg:s8], $0x5FFFF  }
0xad: {  	[dreg:$0x1] =	wrdreg $0xFFFFFFFF  }
0xae: {  	[dreg:$0x0] =	wrdreg $0x60  }
0xaf: {  	[dreg:$0x2] =	wrdreg s18  }
0xb0: {  	[dreg:$0x3] =	wrdreg s2  }
0xb1: {  	[dreg:$0x4] =	wrdreg s24  }
0xb2: {  	[dreg:$0x5] =	wrdreg $0x9  }
0xb3: {  	_ =	task.clear_ibuf [dreg:s8], $0x6FFFF;
	_ =	strace $0x90000046  }
0xb4: {  	s29 =	simm.s32 $0x9;
	_ =	strace $0x80000048  }
0xb5: {  	_ =	swait.ge [sflag:s29], $0x1  }
0xb6: {  	[sflag:s29] =	ssyncadd.s32 $0xFFFFFFFF  }
0xb7: {  	_ =	strace $0x90000048  }
0xb8: {  	_ =	sfence  }
0xb9: {  	s30 =	sld [smem:$0x0];
	_ =	sdelay $0x2  }
0xba: {  	s31 =	sshll.u32 s1, $0xD;
	s1 =	sshrl.u32 s1, $0x2  }
0xbb: {  	s3 =	sand.u32 $0x4000, s31;
	s1 =	sadd.s32 s1, s30  }
0xbc: {  	s0 =	sor.u32 s3, s0;
	s1 =	sshll.u32 s1, $0x11  }
0xbd: {  	s0 =	sor.u32 s1, s0  }
0xbe: {  	s0 =	sadd.s32 $0x8F2B, s0  }
0xbf: {  	[sflag:s0] =	ssyncadd.remote.s32 $0x1  }
0xc0: {  	_ =	sfence.sel $0xFFFF  }
0xc1: {  	[dreg:$0x0] =	wrdreg $0xFFFFFFFF;
	(pc) =	sbr.abs _section_cstart, $3  }
0xc2: {  	[dreg:$0x1] =	wrdreg $0xFFFFFFFF  }
0xc3: {  	_ =	task.clear_ibuf [dreg:s8], $0x2FFFF;
	_ =	strace $0x9FFFFFFF  }
0xc4: {  	(tm) =	ssettm $0x7FFFFFFF  }
0xc5: {  	_ =	shalt  }
tec
execute0_lowered:
.L_overlay_start_1:
0x0: {  	(tag) =	ssettag $0x1  }
0x1: {  	s1 =	rddreg [dreg:$0x0]  }
0x2: {  	s2 =	srdreg.scid;
	s0 =	stileid.u32  }
0x3: {  	s4 =	rddreg [dreg:$0x1];
	s6 =	sand.u32 $0x1, s2;
	s30 =	sshll.u32 s0, $0x1  }
0x4: {  	s9 =	rddreg [dreg:$0x2];
	s3 =	simm.s32 $0x0;
	s7 =	sor.u32 s6, s30  }
0x5: {  	s8 =	simm.s32 $0x1;
	[smem:$0x7FF] =	sst s3;
	s5 =	smul.u32 $0x32, s7  }
0x6: {  	s2 =	rddreg [dreg:$0x3];
	_ =	strace $0x80000047;
	s11 =	ssub.s32 $0x2, s6  }
0x7: {  	s6 =	simm.s32 $0x190;
	s5 =	sadd.s32 s4, s5;
	s4 =	simm.s32 $0x2  }
0x8: {  	[tilespmem:s3], [sflag:$0x2] =	stream.linear.gather [hbm4b:s5+s3], $0x190, $0x38;
	[tilespmem:$0xCA00] =	vst v63  }
0x9: {  	s10 =	smul.u32 $0x1900, s7;
	s12 =	sshrl.u32 s11, $0x1;
	_ =	swait.ge [sflag:s4], $0x190  }
0xa: {  	s7 =	simm.s32 $0x200;
	s31 =	ssub.s32 s11, s12;
	[sflag:s4] =	ssyncset.done $0x0  }
0xb: {  	s9 =	sadd.s32 s10, s9;
	s10 =	smax.u32 s31, $0x1;
	[sflag:s4] =	ssyncadd.s32 $0xFFFFFE70  }
0xc: {  	[tilespmem:s7], [sflag:$0x1] =	stream.indirect.gather [hbm4b:s1+s6], $0x80, s3, s6, $0xb8;
	[tilespmem:$0xCA00] =	vst v63  }
0xd: {  	p0 =	sne.s32 s10, $0x1;
	_ =	swait.ge [sflag:s8], $0xC800  }
.Ltmp0:
0xe: {  	[sflag:s8] =	ssyncset.done $0x0;
	(pc) =	sbr.rel @!p0 .LBB2_2-.Ltmp0, $4  }
0xf: {  	s9 =	sadd.s32 $0x1800, s9;
	[sflag:s8] =	ssyncadd.s32 $0xFFFF3800  }
0x10: {  	[hbm4b:s9+s3] =	stream.linear.scatter [tilespmem:s7], [sflag:$0x2], $0xC800, $0x38;
	[tilespmem:$0xCA00] =	vst v63  }
0x11: {  	_ =	swait.ge [sflag:s4], $0xC800  }
0x12: {  	s10 =	sadd.s32 $0xFFFFFFFF, s10;
	[sflag:s4] =	ssyncset.done $0x0  }
.LBB2_1:
0x13: {  	p0 =	sne.s32 s10, $0x1;
	s10 =	sadd.s32 $0xFFFFFFFF, s10;
	[sflag:s4] =	ssyncadd.s32 $0xFFFF3800  }
0x14: {  	[tilespmem:s3], [sflag:$0x2] =	stream.linear.gather [hbm4b:s5+s3], $0x190, $0x38;
	[tilespmem:$0xCA00] =	vst v63  }
0x15: {  	_ =	swait.ge [sflag:s4], $0x190  }
0x16: {  	[sflag:s4] =	ssyncset.done $0x0  }
0x17: {  	[sflag:s4] =	ssyncadd.s32 $0xFFFFFE70  }
0x18: {  	[tilespmem:s7], [sflag:$0x1] =	stream.indirect.gather [hbm4b:s1+s6], $0x80, s3, s6, $0xb8;
	[tilespmem:$0xCA00] =	vst v63  }
0x19: {  	_ =	swait.ge [sflag:s8], $0xC800  }
.Ltmp1:
0x1a: {  	[sflag:s8] =	ssyncset.done $0x0;
	(pc) =	sbr.rel @p0 .LBB2_1-.Ltmp1, $4  }
0x1b: {  	[sflag:s8] =	ssyncadd.s32 $0xFFFF3800  }
0x1c: {  	[hbm4b:s9+s3] =	stream.linear.scatter [tilespmem:s7], [sflag:$0x2], $0xC800, $0x38;
	[tilespmem:$0xCA00] =	vst v63  }
0x1d: {  	_ =	swait.ge [sflag:s4], $0xC800  }
0x1e: {  	[sflag:s4] =	ssyncset.done $0x0  }
.LBB2_2:
0x1f: {  	[sflag:s4] =	ssyncadd.s32 $0xFFFF3800  }
0x20: {  	_ =	sfence.sel $0x180000  }
0x21: {  	[bflag:$0x0] =	sbarrier.arrive $0xFFFF  }
0x22: {  	p0 =	sne.s32 s0, $0x0;
	_ =	strace $0x90000047  }
0x23: {  	s0 =	sadd.s32 @!p0 $0x100000, s2;
	[bflag:$0x2] =	sbarrier.arrive $0xFFFF  }
0x24: {  	[sflag:s0] =	ssyncadd.tile.s32 @!p0 $0x1;
	_ =	shalt  }
.Lfunc_end2:
_tile_overlayer_lowered:
.L_overlay_start_2:
0x25: {  	(tag) =	ssettag $0x2  }
0x26: {  	s0 =	rddreg [dreg:$0x0];
	s2 =	stileid.u32  }
0x27: {  	s1 =	rddreg [dreg:$0x1];
	p0 =	sne.s32 s2, $0x0  }
0x28: {  	s3 =	rddreg [dreg:$0x2];
	[bflag:$0x3] =	sbarrier.arrive $0xFFFF;
	s2 =	simm.s32 @!p0 $0x1C02  }
0x29: {  	[timem:s3], [sflag:s2] =	dma.local @!p0 [hbm:s0], s1  }
0x2a: {  	s0 =	simm.s32 @!p0 $0x2  }
0x2b: {  	_ =	swait.ge @!p0 [sflag:s0], s1  }
0x2c: {  	s1 =	ssub.s32 @!p0 $0x0, s1;
	[sflag:s0] =	ssyncset.done @!p0 $0x0  }
0x2d: {  	[sflag:s0] =	ssyncadd.s32 @!p0 s1  }
0x2e: {  	[bflag:$0x3] =	sbarrier.arrive $0xFFFF  }
0x2f: {  	_ =	shalt  }

</sc_bundles>
